<compile_context>
chip_gen: v7x
topology: tpu7x:2x2x1
jax: 0.10.2.dev20260603
libtpu: 0.0.44.dev20260713+nightly
codegen_flags: <defaults>
</compile_context>

<pallas_src>
import functools

import jax
import jax.numpy as jnp
from jax import lax
from jax.experimental import pallas as pl
from jax.experimental.pallas import tpu as pltpu
from jax.experimental.pallas import tpu_sc as plsc

_NEIGHBOR_K = 16
_RADIUS_SQ = 0.2 * 0.2
_LOSS_WEIGHT = 1.0
_BLK = 512

_COL_BITS = 13
_COL_MASK = (1 << _COL_BITS) - 1
_HIGH_MASK = ~_COL_MASK
_SENTINEL = 0x7FFFFFFF


def _topk_kernel(coord_ref, coordT_ref, vmcol_ref, vmrow_ref,
                 idx_ref, scale_ref, den_ref):
    i = pl.program_id(0)
    n = coordT_ref.shape[1]
    r0 = i * _BLK

    crow = coord_ref[pl.ds(r0, _BLK), :]
    ct = coordT_ref[...]
    rn = jnp.sum(crow * crow, axis=1, keepdims=True)
    cn = jnp.sum(ct * ct, axis=0, keepdims=True)
    ab = jnp.dot(crow, ct, preferred_element_type=jnp.float32,
                 precision=jax.lax.Precision.HIGHEST)
    d2 = jnp.maximum(cn - 2.0 * ab + rn, 0.0)

    rows_local = (jax.lax.broadcasted_iota(jnp.int32, (_BLK, 1), 0) + r0)
    cols = jax.lax.broadcasted_iota(jnp.int32, (_BLK, n), 1)
    col_invalid = vmcol_ref[0:1, :] <= 0.0
    sent = jnp.int32(_SENTINEL)
    excl = (cols == rows_local) | col_invalid | (d2 >= _RADIUS_SQ)
    bits = jax.lax.bitcast_convert_type(d2, jnp.int32)
    key = jnp.where(excl, sent, (bits & _HIGH_MASK) | cols)

    tlane = jax.lax.broadcasted_iota(jnp.int32, (_BLK, _NEIGHBOR_K), 1)

    def body(t, carry):
        m_prev, idxacc, count = carry
        cand = jnp.where(key > m_prev, key, sent)
        m = jnp.min(cand, axis=1, keepdims=True)
        valid = m < sent
        col = m & _COL_MASK
        padded = jnp.where(valid, col, rows_local)
        idxacc = jnp.where(tlane == t, padded, idxacc)
        count = count + valid.astype(jnp.float32)
        return m, idxacc, count

    m0 = jnp.full((_BLK, 1), -1, jnp.int32)
    idx0 = jnp.zeros((_BLK, _NEIGHBOR_K), jnp.int32)
    cnt0 = jnp.zeros((_BLK, 1), jnp.float32)
    _, idxacc, count = jax.lax.fori_loop(0, _NEIGHBOR_K, body, (m0, idx0, cnt0))

    validf = (vmrow_ref[pl.ds(r0, _BLK), :] > 0.0).astype(jnp.float32)
    idx_ref[...] = idxacc
    scale_ref[...] = validf / jnp.maximum(count, 1.0)

    @pl.when(i == 0)
    def _():
        den_ref[...] = jnp.zeros_like(den_ref)
    lane = jax.lax.broadcasted_iota(jnp.int32, (1, 128), 1)
    den_ref[...] += jnp.where(lane == 0, jnp.sum(validf), 0.0)


def _topk_pallas(coord, valid_feat_mask):
    n = coord.shape[0]
    coordp = jnp.pad(coord, ((0, 0), (0, 5)))
    coordT = coordp.T
    vmcol = valid_feat_mask.reshape(1, n)
    vmrow = valid_feat_mask.reshape(n, 1)
    full = lambda shape: pl.BlockSpec(shape, lambda i: (0, 0))
    return pl.pallas_call(
        _topk_kernel,
        grid=(n // _BLK,),
        in_specs=[
            full(coordp.shape),
            full(coordT.shape),
            full(vmcol.shape),
            full(vmrow.shape),
        ],
        out_specs=[
            pl.BlockSpec((_BLK, _NEIGHBOR_K), lambda i: (i, 0)),
            pl.BlockSpec((_BLK, 1), lambda i: (i, 0)),
            full((1, 128)),
        ],
        out_shape=[
            jax.ShapeDtypeStruct((n, _NEIGHBOR_K), jnp.int32),
            jax.ShapeDtypeStruct((n, 1), jnp.float32),
            jax.ShapeDtypeStruct((1, 128), jnp.float32),
        ],
        compiler_params=pltpu.CompilerParams(
            dimension_semantics=("arbitrary",),
        ),
    )(coordp, coordT, vmcol, vmrow)


_NC = 2
_NS = 16
_NW = _NC * _NS
_GRP = 16


def _sc_gather_loss(idx_flat, pred, scale):
    n, d = pred.shape
    rw = n // _NW
    ngrp = rw // _GRP
    nchunk = d // 16
    mesh = plsc.VectorSubcoreMesh(core_axis_name="c", subcore_axis_name="s")

    @functools.partial(
        pl.kernel,
        mesh=mesh,
        compiler_params=pltpu.CompilerParams(needs_layout_passes=False,
                                             use_tc_tiling_on_sc=False),
        out_type=jax.ShapeDtypeStruct((_NW, 16), jnp.float32),
        scratch_types=[
            pltpu.VMEM((rw * _NEIGHBOR_K,), jnp.int32),
            pltpu.VMEM((rw, d), jnp.float32),
            pltpu.VMEM((rw,), jnp.float32),
            pltpu.VMEM((_GRP * _NEIGHBOR_K, d), jnp.float32),
            pltpu.VMEM((16,), jnp.float32),
            pltpu.SemaphoreType.DMA,
        ],
    )
    def _sc_kernel(idx_hbm, pred_hbm, scale_hbm, out_hbm,
                   idx_v, own_v, scale_v, nb_v, acc_v, sem):
        wid = lax.axis_index("s") * _NC + lax.axis_index("c")
        base = wid * rw
        pltpu.sync_copy(idx_hbm.at[pl.ds(base * _NEIGHBOR_K, rw * _NEIGHBOR_K)],
                        idx_v)
        pltpu.sync_copy(pred_hbm.at[pl.ds(base, rw)], own_v)
        pltpu.sync_copy(scale_hbm.at[pl.ds(base, rw)], scale_v)
        lanes = lax.iota(jnp.int32, 16)

        def group_body(g, acc):
            gi = g * (_GRP * _NEIGHBOR_K)
            cp0 = pltpu.async_copy(
                pred_hbm.at[idx_v.at[pl.ds(gi, 128)]],
                nb_v.at[pl.ds(0, 128)], sem)
            cp1 = pltpu.async_copy(
                pred_hbm.at[idx_v.at[pl.ds(gi + 128, 128)]],
                nb_v.at[pl.ds(128, 128)], sem)
            cp0.wait()
            cp1.wait()

            def row_body(r, acc):
                row = g * _GRP + r

                def t_body(t, racc):
                    nbase = r * _NEIGHBOR_K + t
                    total = racc
                    for c in range(nchunk):
                        dv = (nb_v[nbase, pl.ds(c * 16, 16)] -
                              own_v[row, pl.ds(c * 16, 16)])
                        total = total + dv * dv
                    return total
                racc = lax.fori_loop(0, _NEIGHBOR_K, t_body,
                                     jnp.zeros((16,), jnp.float32))
                splat = plsc.load_gather(
                    scale_v, [jnp.full((16,), row, jnp.int32)])
                return acc + racc * splat

            return lax.fori_loop(0, _GRP, row_body, acc)

        acc = lax.fori_loop(0, ngrp, group_body, jnp.zeros((16,), jnp.float32))
        acc_v[...] = acc
        pltpu.sync_copy(acc_v, out_hbm.at[wid])

    return _sc_kernel(idx_flat, pred, scale)


def kernel(pred, target, valid_feat_mask, coord):
    del target
    n = coord.shape[0]
    idx, scale, den = _topk_pallas(coord, valid_feat_mask)
    partials = _sc_gather_loss(idx.reshape(n * _NEIGHBOR_K), pred,
                               scale.reshape(n))
    return _LOSS_WEIGHT * jnp.sum(partials) / den[0, 0]

# --- scband reference (transcript-rebuilt; emitter-appended) ---
"""Pipeline reference for scband-spatial-smoothness-loss-32057635897736 (READ-ONLY COPY).

The authoritative reference and input builder live on the scoring server;
editing this copy changes nothing except your own understanding.
"""

import jax, jax.numpy as jnp
import numpy as np

NEIGHBOR_K = 16
RADIUS = 0.2
LOSS_WEIGHT = 1.0


def setup_inputs(seed: int = 0) -> dict:
    key = jax.random.key(seed)
    k1, k2, k3 = jax.random.split(key, 3)
    N, D = 8192, 64
    pred = jax.random.normal(k1, (N, D), dtype=jnp.float32)
    target = jax.random.normal(k2, (N, D), dtype=jnp.float32)
    valid_feat_mask = jnp.ones((N,), dtype=jnp.float32)
    coord = jax.random.uniform(k3, (N, 3), dtype=jnp.float32)
    return {"pred": pred, "target": target, "valid_feat_mask": valid_feat_mask, "coord": coord}


def _cdist(a, b):
    a2 = jnp.sum(a * a, axis=1, keepdims=True)
    b2 = jnp.sum(b * b, axis=1, keepdims=True)
    d2 = a2 + b2.T - 2.0 * (a @ b.T)
    return jnp.sqrt(jnp.clip(d2, 0.0, None))


def reference(pred, target, valid_feat_mask, coord):
    # epoch_progress is None -> weight = loss_weight
    weight = LOSS_WEIGHT
    valid_mask = valid_feat_mask > 0
    valid_coord = coord
    valid_pred = pred
    M = valid_coord.shape[0]
    # M <= 100000 so no random subsampling branch
    dists = _cdist(valid_coord, valid_coord)
    dists = jnp.where(jnp.eye(M, dtype=bool), jnp.inf, dists)
    invalid = ~valid_mask
    dists = jnp.where(invalid[None, :] | invalid[:, None], jnp.inf, dists)
    # dists only feed top-k indices and a radius comparison (no grad path), so
    # stop_gradient matches the effective torch semantics and avoids sqrt(0) NaNs.
    dists = jax.lax.stop_gradient(dists)
    k = min(NEIGHBOR_K, M - 1)
    neg_knn, knn_indices = jax.lax.top_k(-dists, k)
    knn_dists = -neg_knn
    radius_mask = knn_dists < RADIUS
    neighbor_feats = valid_pred[knn_indices]          # [M, k, D] gather
    feat_diff = (valid_pred[:, None, :] - neighbor_feats) ** 2
    feat_diff = jnp.sum(feat_diff, axis=2)            # [M, k]
    feat_diff = feat_diff * radius_mask.astype(jnp.float32)
    valid_neighbor_count = jnp.clip(jnp.sum(radius_mask, axis=1), 1, None).astype(jnp.float32)
    smoothness_loss = jnp.sum(feat_diff, axis=1) / valid_neighbor_count
    validf = valid_mask.astype(jnp.float32)
    loss = jnp.sum(smoothness_loss * validf) / jnp.sum(validf)
    return weight * loss

if __name__ == "__main__":
    import jax
    _d = setup_inputs()
    print(jax.jit(kernel)(*tuple(_d.values())))

</pallas_src>

<mosaic_0001>
#map = affine_map<(d0, d1) -> (0)>
#map1 = affine_map<(d0, d1) -> (0, 0)>
module attributes {stable_mosaic.version = 14 : i64} {
  func.func @_sc_kernel(%arg0: i32, %arg1: i32, %arg2: memref<131072xi32, #tpu.memory_space<hbm>>, %arg3: memref<8192x64xf32, #tpu.memory_space<hbm>>, %arg4: memref<8192xf32, #tpu.memory_space<hbm>>, %arg5: memref<32x16xf32, #tpu.memory_space<hbm>>, %arg6: memref<4096xi32, #tpu.memory_space<vmem>>, %arg7: memref<256x64xf32, #tpu.memory_space<vmem>>, %arg8: memref<256xf32, #tpu.memory_space<vmem>>, %arg9: memref<256x64xf32, #tpu.memory_space<vmem>>, %arg10: memref<16xf32, #tpu.memory_space<vmem>>, %arg11: memref<!tpu.dma_semaphore, #tpu.memory_space<semaphore_mem>>) attributes {dimension_semantics = [#tpu.dimension_semantics<core_parallel>, #tpu.dimension_semantics<subcore_parallel>], iteration_bounds = array<i64: 2, 16>, scalar_prefetch = 0 : i64, scratch_operands = 6 : i64, tpu.core_type = #tpu.core_type<sc_vector_subcore>, window_params = [{transform_indices = #map}, {transform_indices = #map1}, {transform_indices = #map}, {transform_indices = #map1}]} {
    %mul3A = arith.constant 2 : i32
    %mul3A_0 = arith.muli %arg1, %mul3A : i32
    %add3A = arith.addi %mul3A_0, %arg0 : i32
    %mul3A_1 = arith.constant 256 : i32
    %mul3A_2 = arith.muli %add3A, %mul3A_1 : i32
    %mul3A_3 = arith.constant 16 : i32
    %mul3A_4 = arith.muli %mul3A_2, %mul3A_3 : i32
    "tpu.region"() ({
      %run_scoped3A = tpu.sem_alloc : memref<!tpu.dma_semaphore, #tpu.memory_space<semaphore_mem>>
      %dma_start3A = tpu.memref_slice %arg2[%mul3A_4] : memref<131072xi32, #tpu.memory_space<hbm>> -> memref<4096xi32, #tpu.memory_space<hbm>>
      %dma_start3A_12 = tpu.memref_slice %arg2[%mul3A_4] : memref<131072xi32, #tpu.memory_space<hbm>> -> memref<4096xi32, #tpu.memory_space<hbm>>
      tpu.enqueue_dma source(%dma_start3A_12 : memref<4096xi32, #tpu.memory_space<hbm>>) target(%arg6 : memref<4096xi32, #tpu.memory_space<vmem>>) target_semaphore(%run_scoped3A : memref<!tpu.dma_semaphore, #tpu.memory_space<semaphore_mem>>)
      %dma_wait3A = tpu.memref_slice %arg2[%mul3A_4] : memref<131072xi32, #tpu.memory_space<hbm>> -> memref<4096xi32, #tpu.memory_space<hbm>>
      %dma_wait3A_13 = tpu.memref_slice %arg2[%mul3A_4] : memref<131072xi32, #tpu.memory_space<hbm>> -> memref<4096xi32, #tpu.memory_space<hbm>>
      tpu.wait_dma2 semaphore(%run_scoped3A : memref<!tpu.dma_semaphore, #tpu.memory_space<semaphore_mem>>) src(%dma_wait3A_13 : memref<4096xi32, #tpu.memory_space<hbm>>) dst(%arg6 : memref<4096xi32, #tpu.memory_space<vmem>>)
      tpu.yield
    }) : () -> ()
    "tpu.region"() ({
      %run_scoped3A = tpu.sem_alloc : memref<!tpu.dma_semaphore, #tpu.memory_space<semaphore_mem>>
      %dma_start3A = arith.constant 0 : i32
      %dma_start3A_12 = tpu.memref_slice %arg3[%mul3A_2, %dma_start3A] : memref<8192x64xf32, #tpu.memory_space<hbm>> -> memref<256x64xf32, #tpu.memory_space<hbm>>
      %dma_start3A_13 = arith.constant 0 : i32
      %dma_start3A_14 = tpu.memref_slice %arg3[%mul3A_2, %dma_start3A_13] : memref<8192x64xf32, #tpu.memory_space<hbm>> -> memref<256x64xf32, #tpu.memory_space<hbm>>
      tpu.enqueue_dma source(%dma_start3A_14 : memref<256x64xf32, #tpu.memory_space<hbm>>) target(%arg7 : memref<256x64xf32, #tpu.memory_space<vmem>>) target_semaphore(%run_scoped3A : memref<!tpu.dma_semaphore, #tpu.memory_space<semaphore_mem>>)
      %dma_wait3A = arith.constant 0 : i32
      %dma_wait3A_15 = tpu.memref_slice %arg3[%mul3A_2, %dma_wait3A] : memref<8192x64xf32, #tpu.memory_space<hbm>> -> memref<256x64xf32, #tpu.memory_space<hbm>>
      %dma_wait3A_16 = arith.constant 0 : i32
      %dma_wait3A_17 = tpu.memref_slice %arg3[%mul3A_2, %dma_wait3A_16] : memref<8192x64xf32, #tpu.memory_space<hbm>> -> memref<256x64xf32, #tpu.memory_space<hbm>>
      tpu.wait_dma2 semaphore(%run_scoped3A : memref<!tpu.dma_semaphore, #tpu.memory_space<semaphore_mem>>) src(%dma_wait3A_17 : memref<256x64xf32, #tpu.memory_space<hbm>>) dst(%arg7 : memref<256x64xf32, #tpu.memory_space<vmem>>)
      tpu.yield
    }) : () -> ()
    "tpu.region"() ({
      %run_scoped3A = tpu.sem_alloc : memref<!tpu.dma_semaphore, #tpu.memory_space<semaphore_mem>>
      %dma_start3A = tpu.memref_slice %arg4[%mul3A_2] : memref<8192xf32, #tpu.memory_space<hbm>> -> memref<256xf32, #tpu.memory_space<hbm>>
      %dma_start3A_12 = tpu.memref_slice %arg4[%mul3A_2] : memref<8192xf32, #tpu.memory_space<hbm>> -> memref<256xf32, #tpu.memory_space<hbm>>
      tpu.enqueue_dma source(%dma_start3A_12 : memref<256xf32, #tpu.memory_space<hbm>>) target(%arg8 : memref<256xf32, #tpu.memory_space<vmem>>) target_semaphore(%run_scoped3A : memref<!tpu.dma_semaphore, #tpu.memory_space<semaphore_mem>>)
      %dma_wait3A = tpu.memref_slice %arg4[%mul3A_2] : memref<8192xf32, #tpu.memory_space<hbm>> -> memref<256xf32, #tpu.memory_space<hbm>>
      %dma_wait3A_13 = tpu.memref_slice %arg4[%mul3A_2] : memref<8192xf32, #tpu.memory_space<hbm>> -> memref<256xf32, #tpu.memory_space<hbm>>
      tpu.wait_dma2 semaphore(%run_scoped3A : memref<!tpu.dma_semaphore, #tpu.memory_space<semaphore_mem>>) src(%dma_wait3A_13 : memref<256xf32, #tpu.memory_space<hbm>>) dst(%arg8 : memref<256xf32, #tpu.memory_space<vmem>>)
      tpu.yield
    }) : () -> ()
    %iota3A = tpu.iota {dimensions = array<i32: 0>} : vector<16xi32>
    %broadcast_in_dim3A = arith.constant 0.000000e+00 : f32
    %broadcast_in_dim3A_5 = vector.broadcast %broadcast_in_dim3A : f32 to vector<16xf32>
    %scan3A = arith.constant 0 : i32
    %scan3A_6 = arith.constant 16 : i32
    %scan3A_7 = arith.addi %scan3A, %scan3A_6 : i32
    %scan3A_8 = arith.constant 1 : i32
    %scan3A_9 = scf.for %scan3A_12 = %scan3A to %scan3A_7 step %scan3A_8 iter_args(%scan3A_13 = %broadcast_in_dim3A_5) -> (vector<16xf32>)  : i32 {
      %mul3A_14 = arith.constant 256 : i32
      %mul3A_15 = arith.muli %scan3A_12, %mul3A_14 : i32
      %dma_start3A = arith.constant 0 : i32
      %dma_start3A_16 = arith.constant 0 : i32
      %dma_start3A_17 = tpu.memref_slice %arg9[%dma_start3A, %dma_start3A_16] : memref<256x64xf32, #tpu.memory_space<vmem>> -> memref<128x64xf32, #tpu.memory_space<vmem>>
      %dma_start3A_18 = tpu.memref_slice %arg6[%mul3A_15] : memref<4096xi32, #tpu.memory_space<vmem>> -> memref<128xi32, #tpu.memory_space<vmem>>
      %dma_start3A_19 = arith.constant 0 : i32
      %dma_start3A_20 = arith.constant 0 : i32
      %dma_start3A_21 = tpu.memref_slice %arg3[%dma_start3A_19, %dma_start3A_20] : memref<8192x64xf32, #tpu.memory_space<hbm>> -> memref<8192x64xf32, #tpu.memory_space<hbm>>
      tpu.enqueue_indirect_dma source(%dma_start3A_21 : memref<8192x64xf32, #tpu.memory_space<hbm>>) target(%dma_start3A_17 : memref<128x64xf32, #tpu.memory_space<vmem>>) offsets(%dma_start3A_18 : memref<128xi32, #tpu.memory_space<vmem>>) semaphore(%arg11 : memref<!tpu.dma_semaphore, #tpu.memory_space<semaphore_mem>>)
      %add3A_22 = arith.constant 128 : i32
      %add3A_23 = arith.addi %mul3A_15, %add3A_22 : i32
      %dma_start3A_24 = arith.constant 128 : i32
      %dma_start3A_25 = arith.constant 0 : i32
      %dma_start3A_26 = tpu.memref_slice %arg9[%dma_start3A_24, %dma_start3A_25] : memref<256x64xf32, #tpu.memory_space<vmem>> -> memref<128x64xf32, #tpu.memory_space<vmem>>
      %dma_start3A_27 = tpu.memref_slice %arg6[%add3A_23] : memref<4096xi32, #tpu.memory_space<vmem>> -> memref<128xi32, #tpu.memory_space<vmem>>
      %dma_start3A_28 = arith.constant 0 : i32
      %dma_start3A_29 = arith.constant 0 : i32
      %dma_start3A_30 = tpu.memref_slice %arg3[%dma_start3A_28, %dma_start3A_29] : memref<8192x64xf32, #tpu.memory_space<hbm>> -> memref<8192x64xf32, #tpu.memory_space<hbm>>
      tpu.enqueue_indirect_dma source(%dma_start3A_30 : memref<8192x64xf32, #tpu.memory_space<hbm>>) target(%dma_start3A_26 : memref<128x64xf32, #tpu.memory_space<vmem>>) offsets(%dma_start3A_27 : memref<128xi32, #tpu.memory_space<vmem>>) semaphore(%arg11 : memref<!tpu.dma_semaphore, #tpu.memory_space<semaphore_mem>>)
      %dma_wait3A = arith.constant 0 : i32
      %dma_wait3A_31 = arith.constant 0 : i32
      %dma_wait3A_32 = tpu.memref_slice %arg9[%dma_wait3A, %dma_wait3A_31] : memref<256x64xf32, #tpu.memory_space<vmem>> -> memref<128x64xf32, #tpu.memory_space<vmem>>
      %dma_wait3A_33 = tpu.memref_slice %arg6[%mul3A_15] : memref<4096xi32, #tpu.memory_space<vmem>> -> memref<128xi32, #tpu.memory_space<vmem>>
      %dma_wait3A_34 = arith.constant 0 : i32
      %dma_wait3A_35 = arith.constant 0 : i32
      %dma_wait3A_36 = tpu.memref_slice %arg3[%dma_wait3A_34, %dma_wait3A_35] : memref<8192x64xf32, #tpu.memory_space<hbm>> -> memref<8192x64xf32, #tpu.memory_space<hbm>>
      tpu.wait_indirect_dma semaphore(%arg11 : memref<!tpu.dma_semaphore, #tpu.memory_space<semaphore_mem>>) src(%dma_wait3A_36 : memref<8192x64xf32, #tpu.memory_space<hbm>>) dst(%dma_wait3A_32 : memref<128x64xf32, #tpu.memory_space<vmem>>)
      %dma_wait3A_37 = arith.constant 128 : i32
      %dma_wait3A_38 = arith.constant 0 : i32
      %dma_wait3A_39 = tpu.memref_slice %arg9[%dma_wait3A_37, %dma_wait3A_38] : memref<256x64xf32, #tpu.memory_space<vmem>> -> memref<128x64xf32, #tpu.memory_space<vmem>>
      %dma_wait3A_40 = tpu.memref_slice %arg6[%add3A_23] : memref<4096xi32, #tpu.memory_space<vmem>> -> memref<128xi32, #tpu.memory_space<vmem>>
      %dma_wait3A_41 = arith.constant 0 : i32
      %dma_wait3A_42 = arith.constant 0 : i32
      %dma_wait3A_43 = tpu.memref_slice %arg3[%dma_wait3A_41, %dma_wait3A_42] : memref<8192x64xf32, #tpu.memory_space<hbm>> -> memref<8192x64xf32, #tpu.memory_space<hbm>>
      tpu.wait_indirect_dma semaphore(%arg11 : memref<!tpu.dma_semaphore, #tpu.memory_space<semaphore_mem>>) src(%dma_wait3A_43 : memref<8192x64xf32, #tpu.memory_space<hbm>>) dst(%dma_wait3A_39 : memref<128x64xf32, #tpu.memory_space<vmem>>)
      %scan3A_44 = arith.constant 0 : i32
      %scan3A_45 = arith.constant 16 : i32
      %scan3A_46 = arith.addi %scan3A_44, %scan3A_45 : i32
      %scan3A_47 = arith.constant 1 : i32
      %scan3A_48 = scf.for %scan3A_50 = %scan3A_44 to %scan3A_46 step %scan3A_47 iter_args(%scan3A_51 = %scan3A_13) -> (vector<16xf32>)  : i32 {
        %mul3A_52 = arith.constant 16 : i32
        %mul3A_53 = arith.muli %scan3A_12, %mul3A_52 : i32
        %add3A_54 = arith.addi %mul3A_53, %scan3A_50 : i32
        %broadcast_in_dim3A_55 = arith.constant 0.000000e+00 : f32
        %broadcast_in_dim3A_56 = vector.broadcast %broadcast_in_dim3A_55 : f32 to vector<16xf32>
        %scan3A_57 = arith.constant 0 : i32
        %scan3A_58 = arith.constant 16 : i32
        %scan3A_59 = arith.addi %scan3A_57, %scan3A_58 : i32
        %scan3A_60 = arith.constant 1 : i32
        %scan3A_61 = scf.for %scan3A_66 = %scan3A_57 to %scan3A_59 step %scan3A_60 iter_args(%scan3A_67 = %broadcast_in_dim3A_56) -> (vector<16xf32>)  : i32 {
          %mul3A_68 = arith.constant 16 : i32
          %mul3A_69 = arith.muli %scan3A_50, %mul3A_68 : i32
          %add3A_70 = arith.addi %mul3A_69, %scan3A_66 : i32
          %get3A = arith.index_cast %add3A_70 : i32 to index
          %get3A_71 = arith.constant 0 : index
          %get3A_72 = tpu.vector_load %arg9[%get3A, %get3A_71] {strides = array<i32>} : memref<256x64xf32, #tpu.memory_space<vmem>>, vector<16xf32>,
          %get3A_73 = arith.index_cast %add3A_54 : i32 to index
          %get3A_74 = arith.constant 0 : index
          %get3A_75 = tpu.vector_load %arg7[%get3A_73, %get3A_74] {strides = array<i32>} : memref<256x64xf32, #tpu.memory_space<vmem>>, vector<16xf32>,
          %sub3A = arith.subf %get3A_72, %get3A_75 : vector<16xf32>
          %mul3A_76 = arith.mulf %sub3A, %sub3A : vector<16xf32>
          %add3A_77 = arith.addf %scan3A_67, %mul3A_76 : vector<16xf32>
          %get3A_78 = arith.index_cast %add3A_70 : i32 to index
          %get3A_79 = arith.constant 16 : index
          %get3A_80 = tpu.vector_load %arg9[%get3A_78, %get3A_79] {strides = array<i32>} : memref<256x64xf32, #tpu.memory_space<vmem>>, vector<16xf32>,
          %get3A_81 = arith.index_cast %add3A_54 : i32 to index
          %get3A_82 = arith.constant 16 : index
          %get3A_83 = tpu.vector_load %arg7[%get3A_81, %get3A_82] {strides = array<i32>} : memref<256x64xf32, #tpu.memory_space<vmem>>, vector<16xf32>,
          %sub3A_84 = arith.subf %get3A_80, %get3A_83 : vector<16xf32>
          %mul3A_85 = arith.mulf %sub3A_84, %sub3A_84 : vector<16xf32>
          %add3A_86 = arith.addf %add3A_77, %mul3A_85 : vector<16xf32>
          %get3A_87 = arith.index_cast %add3A_70 : i32 to index
          %get3A_88 = arith.constant 32 : index
          %get3A_89 = tpu.vector_load %arg9[%get3A_87, %get3A_88] {strides = array<i32>} : memref<256x64xf32, #tpu.memory_space<vmem>>, vector<16xf32>,
          %get3A_90 = arith.index_cast %add3A_54 : i32 to index
          %get3A_91 = arith.constant 32 : index
          %get3A_92 = tpu.vector_load %arg7[%get3A_90, %get3A_91] {strides = array<i32>} : memref<256x64xf32, #tpu.memory_space<vmem>>, vector<16xf32>,
          %sub3A_93 = arith.subf %get3A_89, %get3A_92 : vector<16xf32>
          %mul3A_94 = arith.mulf %sub3A_93, %sub3A_93 : vector<16xf32>
          %add3A_95 = arith.addf %add3A_86, %mul3A_94 : vector<16xf32>
          %get3A_96 = arith.index_cast %add3A_70 : i32 to index
          %get3A_97 = arith.constant 48 : index
          %get3A_98 = tpu.vector_load %arg9[%get3A_96, %get3A_97] {strides = array<i32>} : memref<256x64xf32, #tpu.memory_space<vmem>>, vector<16xf32>,
          %get3A_99 = arith.index_cast %add3A_54 : i32 to index
          %get3A_100 = arith.constant 48 : index
          %get3A_101 = tpu.vector_load %arg7[%get3A_99, %get3A_100] {strides = array<i32>} : memref<256x64xf32, #tpu.memory_space<vmem>>, vector<16xf32>,
          %sub3A_102 = arith.subf %get3A_98, %get3A_101 : vector<16xf32>
          %mul3A_103 = arith.mulf %sub3A_102, %sub3A_102 : vector<16xf32>
          %add3A_104 = arith.addf %add3A_95, %mul3A_103 : vector<16xf32>
          scf.yield %add3A_104 : vector<16xf32>
        }
        %scan3A_62 = arith.constant 16 : i32
        %broadcast_in_dim3A_63 = vector.broadcast %add3A_54 : i32 to vector<16xi32>
        %gather3A = tpu.vector_load_idx %arg8[%broadcast_in_dim3A_63] : memref<256xf32, #tpu.memory_space<vmem>>[vector<16xi32>], vector<16xf32>,
        %mul3A_64 = arith.mulf %scan3A_61, %gather3A : vector<16xf32>
        %add3A_65 = arith.addf %scan3A_51, %mul3A_64 : vector<16xf32>
        scf.yield %add3A_65 : vector<16xf32>
      }
      %scan3A_49 = arith.constant 16 : i32
      scf.yield %scan3A_48 : vector<16xf32>
    }
    %scan3A_10 = arith.constant 16 : i32
    %swap3A = arith.constant 0 : index
    %swap3A_11 = tpu.vector_load %arg10[%swap3A] {strides = array<i32>} : memref<16xf32, #tpu.memory_space<vmem>>, vector<16xf32>,
    tpu.vector_store %arg10[%swap3A], %scan3A_9 {strides = array<i32>} : memref<16xf32, #tpu.memory_space<vmem>>, vector<16xf32>,
    "tpu.region"() ({
      %run_scoped3A = tpu.sem_alloc : memref<!tpu.dma_semaphore, #tpu.memory_space<semaphore_mem>>
      %dma_start3A = arith.constant 0 : i32
      %dma_start3A_12 = tpu.memref_slice %arg5[%add3A, %dma_start3A] : memref<32x16xf32, #tpu.memory_space<hbm>> -> memref<1x16xf32, #tpu.memory_space<hbm>>
      %dma_start3A_13 = tpu.memref_squeeze %dma_start3A_12 : memref<1x16xf32, #tpu.memory_space<hbm>> -> memref<16xf32, #tpu.memory_space<hbm>>
      %dma_start3A_14 = arith.constant 0 : i32
      %dma_start3A_15 = tpu.memref_slice %arg5[%add3A, %dma_start3A_14] : memref<32x16xf32, #tpu.memory_space<hbm>> -> memref<1x16xf32, #tpu.memory_space<hbm>>
      %dma_start3A_16 = tpu.memref_squeeze %dma_start3A_15 : memref<1x16xf32, #tpu.memory_space<hbm>> -> memref<16xf32, #tpu.memory_space<hbm>>
      tpu.enqueue_dma source(%arg10 : memref<16xf32, #tpu.memory_space<vmem>>) target(%dma_start3A_16 : memref<16xf32, #tpu.memory_space<hbm>>) target_semaphore(%run_scoped3A : memref<!tpu.dma_semaphore, #tpu.memory_space<semaphore_mem>>)
      %dma_wait3A = arith.constant 0 : i32
      %dma_wait3A_17 = tpu.memref_slice %arg5[%add3A, %dma_wait3A] : memref<32x16xf32, #tpu.memory_space<hbm>> -> memref<1x16xf32, #tpu.memory_space<hbm>>
      %dma_wait3A_18 = tpu.memref_squeeze %dma_wait3A_17 : memref<1x16xf32, #tpu.memory_space<hbm>> -> memref<16xf32, #tpu.memory_space<hbm>>
      %dma_wait3A_19 = arith.constant 0 : i32
      %dma_wait3A_20 = tpu.memref_slice %arg5[%add3A, %dma_wait3A_19] : memref<32x16xf32, #tpu.memory_space<hbm>> -> memref<1x16xf32, #tpu.memory_space<hbm>>
      %dma_wait3A_21 = tpu.memref_squeeze %dma_wait3A_20 : memref<1x16xf32, #tpu.memory_space<hbm>> -> memref<16xf32, #tpu.memory_space<hbm>>
      tpu.wait_dma2 semaphore(%run_scoped3A : memref<!tpu.dma_semaphore, #tpu.memory_space<semaphore_mem>>) src(%arg10 : memref<16xf32, #tpu.memory_space<vmem>>) dst(%dma_wait3A_21 : memref<16xf32, #tpu.memory_space<hbm>>)
      tpu.yield
    }) : () -> ()
    return
  }
}

module attributes {stable_mosaic.version = 14 : i64} {
  func.func @_topk_kernel(%arg0: i32, %arg1: memref<8192x8xf32, #tpu.memory_space<vmem>>, %arg2: memref<8x8192xf32, #tpu.memory_space<vmem>>, %arg3: memref<1x8192xf32, #tpu.memory_space<vmem>>, %arg4: memref<8192x1xf32, #tpu.memory_space<vmem>>, %arg5: memref<512x16xi32, #tpu.memory_space<vmem>>, %arg6: memref<512x1xf32, #tpu.memory_space<vmem>>, %arg7: memref<1x128xf32, #tpu.memory_space<vmem>>) attributes {dimension_semantics = [#tpu.dimension_semantics<arbitrary>], iteration_bounds = array<i64: 16>, scalar_prefetch = 0 : i64, scratch_operands = 0 : i64, tpu.core_type = #tpu.core_type<tc>, window_params = [{pipeline_mode = #tpu.pipeline_mode<synchronous>, transform_indices = @transform_0, window_bounds = array<i64: 8192, 8>}, {pipeline_mode = #tpu.pipeline_mode<synchronous>, transform_indices = @transform_1, window_bounds = array<i64: 8, 8192>}, {pipeline_mode = #tpu.pipeline_mode<synchronous>, transform_indices = @transform_2, window_bounds = array<i64: 1, 8192>}, {pipeline_mode = #tpu.pipeline_mode<synchronous>, transform_indices = @transform_3, window_bounds = array<i64: 8192, 1>}, {transform_indices = @transform_4, window_bounds = array<i64: 512, 16>}, {transform_indices = @transform_5, window_bounds = array<i64: 512, 1>}, {pipeline_mode = #tpu.pipeline_mode<synchronous>, transform_indices = @transform_6, window_bounds = array<i64: 1, 128>}]} {
    %mul3A = arith.constant 512 : i32
    %mul3A_0 = arith.muli %arg0, %mul3A : i32
    %get3A = arith.index_cast %mul3A_0 : i32 to index
    %get3A_1 = arith.constant 0 : index
    %get3A_2 = vector.load %arg1[%get3A, %get3A_1] : memref<8192x8xf32, #tpu.memory_space<vmem>>, vector<512x8xf32>
    %get3A_3 = arith.constant 0 : index
    %get3A_4 = arith.constant 0 : index
    %get3A_5 = vector.load %arg2[%get3A_3, %get3A_4] : memref<8x8192xf32, #tpu.memory_space<vmem>>, vector<8x8192xf32>
    %mul3A_6 = arith.mulf %get3A_2, %get3A_2 : vector<512x8xf32>
    %reduce_sum3A = arith.constant dense<0.000000e+00> : vector<512xf32>
    %reduce_sum3A_7 = vector.multi_reduction <add>, %mul3A_6, %reduce_sum3A [1] : vector<512x8xf32> to vector<512xf32>
    %broadcast_in_dim3A = vector.shape_cast %reduce_sum3A_7 : vector<512xf32> to vector<512x1xf32>
    %mul3A_8 = arith.mulf %get3A_5, %get3A_5 : vector<8x8192xf32>
    %reduce_sum3A_9 = arith.constant dense<0.000000e+00> : vector<8192xf32>
    %reduce_sum3A_10 = vector.multi_reduction <add>, %mul3A_8, %reduce_sum3A_9 [0] : vector<8x8192xf32> to vector<8192xf32>
    %broadcast_in_dim3A_11 = vector.shape_cast %reduce_sum3A_10 : vector<8192xf32> to vector<1x8192xf32>
    %dot_general3A = arith.constant dense<0.000000e+00> : vector<512x8192xf32>
    %dot_general3A_12 = tpu.matmul %get3A_2, %get3A_5, %dot_general3A {dimension_numbers = #tpu.dot_dimension_numbers<[1], [0], [0], [1], [0, 0, 1, 1], [], []>, precision = #tpu.contract_precision<fp32>, transpose_lhs_hint = false} : vector<512x8xf32>, vector<8x8192xf32>, vector<512x8192xf32> -> vector<512x8192xf32>
    %mul3A_13 = arith.constant 2.000000e+00 : f32
    %mul3A_14 = vector.broadcast %mul3A_13 : f32 to vector<512x8192xf32>
    %mul3A_15 = arith.mulf %mul3A_14, %dot_general3A_12 : vector<512x8192xf32>
    %sub3A = vector.broadcast %broadcast_in_dim3A_11 : vector<1x8192xf32> to vector<512x8192xf32>
    %sub3A_16 = arith.subf %sub3A, %mul3A_15 : vector<512x8192xf32>
    %add3A = vector.broadcast %broadcast_in_dim3A : vector<512x1xf32> to vector<512x8192xf32>
    %add3A_17 = arith.addf %sub3A_16, %add3A : vector<512x8192xf32>
    %max3A = arith.constant 0.000000e+00 : f32
    %max3A_18 = vector.broadcast %max3A : f32 to vector<512x8192xf32>
    %max3A_19 = arith.maximumf %add3A_17, %max3A_18 : vector<512x8192xf32>
    %iota3A = tpu.iota {dimensions = array<i32: 0>} : vector<512x1xi32>
    %add3A_20 = vector.broadcast %mul3A_0 : i32 to vector<512x1xi32>
    %add3A_21 = arith.addi %iota3A, %add3A_20 : vector<512x1xi32>
    %iota3A_22 = tpu.iota {dimensions = array<i32: 1>} : vector<512x8192xi32>
    %get3A_23 = arith.constant 0 : index
    %get3A_24 = arith.constant 0 : index
    %get3A_25 = vector.load %arg3[%get3A_23, %get3A_24] : memref<1x8192xf32, #tpu.memory_space<vmem>>, vector<1x8192xf32>
    %le3A = arith.constant 0.000000e+00 : f32
    %le3A_26 = vector.broadcast %le3A : f32 to vector<1x8192xf32>
    %le3A_27 = arith.cmpf ole, %get3A_25, %le3A_26 : vector<1x8192xf32>
    %eq3A = vector.broadcast %add3A_21 : vector<512x1xi32> to vector<512x8192xi32>
    %eq3A_28 = arith.cmpi eq, %iota3A_22, %eq3A : vector<512x8192xi32>
    %or3A = vector.broadcast %le3A_27 : vector<1x8192xi1> to vector<512x8192xi1>
    %or3A_29 = arith.ori %eq3A_28, %or3A : vector<512x8192xi1>
    %ge3A = arith.constant 4.000000e-02 : f32
    %ge3A_30 = vector.broadcast %ge3A : f32 to vector<512x8192xf32>
    %ge3A_31 = arith.cmpf oge, %max3A_19, %ge3A_30 : vector<512x8192xf32>
    %or3A_32 = arith.ori %or3A_29, %ge3A_31 : vector<512x8192xi1>
    %bitcast_convert_type3A = tpu.bitcast %max3A_19 : vector<512x8192xf32> -> vector<512x8192xi32>
    %and3A = arith.constant -8192 : i32
    %and3A_33 = vector.broadcast %and3A : i32 to vector<512x8192xi32>
    %and3A_34 = arith.andi %bitcast_convert_type3A, %and3A_33 : vector<512x8192xi32>
    %or3A_35 = arith.ori %and3A_34, %iota3A_22 : vector<512x8192xi32>
    %jit3A = arith.constant 2147483647 : i32
    %broadcast_in_dim3A_36 = vector.broadcast %jit3A : i32 to vector<512x8192xi32>
    %select_n3A = arith.select %or3A_32, %broadcast_in_dim3A_36, %or3A_35 : vector<512x8192xi1>, vector<512x8192xi32>
    %iota3A_37 = tpu.iota {dimensions = array<i32: 1>} : vector<512x16xi32>
    %broadcast_in_dim3A_38 = arith.constant -1 : i32
    %broadcast_in_dim3A_39 = vector.broadcast %broadcast_in_dim3A_38 : i32 to vector<512x1xi32>
    %broadcast_in_dim3A_40 = arith.constant 0 : i32
    %broadcast_in_dim3A_41 = vector.broadcast %broadcast_in_dim3A_40 : i32 to vector<512x16xi32>
    %broadcast_in_dim3A_42 = arith.constant 0.000000e+00 : f32
    %broadcast_in_dim3A_43 = vector.broadcast %broadcast_in_dim3A_42 : f32 to vector<512x1xf32>
    %scan3A = arith.constant 2147483647 : i32
    %scan3A_44 = arith.constant 0 : i32
    %scan3A_45 = arith.constant 16 : i32
    %scan3A_46 = arith.addi %scan3A_44, %scan3A_45 : i32
    %scan3A_47 = arith.constant 1 : i32
    %scan3A_48:3 = scf.for %scan3A_88 = %scan3A_44 to %scan3A_46 step %scan3A_47 iter_args(%scan3A_89 = %broadcast_in_dim3A_39, %scan3A_90 = %broadcast_in_dim3A_41, %scan3A_91 = %broadcast_in_dim3A_43) -> (vector<512x1xi32>, vector<512x16xi32>, vector<512x1xf32>)  : i32 {
      %gt3A_92 = vector.broadcast %scan3A_89 : vector<512x1xi32> to vector<512x8192xi32>
      %gt3A_93 = arith.cmpi sgt, %select_n3A, %gt3A_92 : vector<512x8192xi32>
      %broadcast_in_dim3A_94 = vector.broadcast %scan3A : i32 to vector<512x8192xi32>
      %select_n3A_95 = arith.select %gt3A_93, %select_n3A, %broadcast_in_dim3A_94 : vector<512x8192xi1>, vector<512x8192xi32>
      %reduce_min3A = arith.constant dense<2147483647> : vector<512xi32>
      %reduce_min3A_96 = vector.multi_reduction <minsi>, %select_n3A_95, %reduce_min3A [1] : vector<512x8192xi32> to vector<512xi32>
      %broadcast_in_dim3A_97 = vector.shape_cast %reduce_min3A_96 : vector<512xi32> to vector<512x1xi32>
      %lt3A = vector.broadcast %scan3A : i32 to vector<512x1xi32>
      %lt3A_98 = arith.cmpi slt, %broadcast_in_dim3A_97, %lt3A : vector<512x1xi32>
      %and3A_99 = arith.constant 8191 : i32
      %and3A_100 = vector.broadcast %and3A_99 : i32 to vector<512x1xi32>
      %and3A_101 = arith.andi %broadcast_in_dim3A_97, %and3A_100 : vector<512x1xi32>
      %select_n3A_102 = arith.select %lt3A_98, %and3A_101, %add3A_21 : vector<512x1xi1>, vector<512x1xi32>
      %eq3A_103 = vector.broadcast %scan3A_88 : i32 to vector<512x16xi32>
      %eq3A_104 = arith.cmpi eq, %iota3A_37, %eq3A_103 : vector<512x16xi32>
      %broadcast_in_dim3A_105 = vector.shape_cast %select_n3A_102 : vector<512x1xi32> to vector<512x1xi32>
      %broadcast_in_dim3A_106 = vector.broadcast %broadcast_in_dim3A_105 : vector<512x1xi32> to vector<512x16xi32>
      %select_n3A_107 = arith.select %eq3A_104, %broadcast_in_dim3A_106, %scan3A_90 : vector<512x16xi1>, vector<512x16xi32>
      %convert_element_type3A_108 = arith.extui %lt3A_98 : vector<512x1xi1> to vector<512x1xi32>
      %convert_element_type3A_109 = arith.sitofp %convert_element_type3A_108 : vector<512x1xi32> to vector<512x1xf32>
      %add3A_110 = arith.addf %scan3A_91, %convert_element_type3A_109 : vector<512x1xf32>
      scf.yield %broadcast_in_dim3A_97, %select_n3A_107, %add3A_110 : vector<512x1xi32>, vector<512x16xi32>, vector<512x1xf32>
    }
    %scan3A_49 = arith.constant 16 : i32
    %get3A_50 = arith.index_cast %mul3A_0 : i32 to index
    %get3A_51 = arith.constant 0 : index
    %get3A_52 = vector.load %arg4[%get3A_50, %get3A_51] : memref<8192x1xf32, #tpu.memory_space<vmem>>, vector<512x1xf32>
    %gt3A = arith.constant 0.000000e+00 : f32
    %gt3A_53 = vector.broadcast %gt3A : f32 to vector<512x1xf32>
    %gt3A_54 = arith.cmpf ogt, %get3A_52, %gt3A_53 : vector<512x1xf32>
    %convert_element_type3A = arith.extui %gt3A_54 : vector<512x1xi1> to vector<512x1xi32>
    %convert_element_type3A_55 = arith.sitofp %convert_element_type3A : vector<512x1xi32> to vector<512x1xf32>
    %swap3A = arith.constant 0 : index
    %swap3A_56 = arith.constant 0 : index
    %swap3A_57 = vector.load %arg5[%swap3A, %swap3A_56] : memref<512x16xi32, #tpu.memory_space<vmem>>, vector<512x16xi32>
    tpu.vector_store %arg5[%swap3A, %swap3A_56], %scan3A_48#1 {strides = array<i32>} : memref<512x16xi32, #tpu.memory_space<vmem>>, vector<512x16xi32>,
    %max3A_58 = arith.constant 1.000000e+00 : f32
    %max3A_59 = vector.broadcast %max3A_58 : f32 to vector<512x1xf32>
    %max3A_60 = arith.maximumf %scan3A_48#2, %max3A_59 : vector<512x1xf32>
    %div3A = arith.divf %convert_element_type3A_55, %max3A_60 : vector<512x1xf32>
    %swap3A_61 = arith.constant 0 : index
    %swap3A_62 = arith.constant 0 : index
    %swap3A_63 = vector.load %arg6[%swap3A_61, %swap3A_62] : memref<512x1xf32, #tpu.memory_space<vmem>>, vector<512x1xf32>
    tpu.vector_store %arg6[%swap3A_61, %swap3A_62], %div3A {strides = array<i32>} : memref<512x1xf32, #tpu.memory_space<vmem>>, vector<512x1xf32>,
    %eq3A_64 = arith.constant 0 : i32
    %eq3A_65 = arith.cmpi eq, %arg0, %eq3A_64 : i32
    %convert_element_type3A_66 = arith.extui %eq3A_65 : i1 to i32
    %cond3A = arith.constant 0 : i32
    %cond3A_67 = arith.cmpi ne, %convert_element_type3A_66, %cond3A : i32
    scf.if %cond3A_67 {
      %broadcast_in_dim3A_88 = arith.constant 0.000000e+00 : f32
      %broadcast_in_dim3A_89 = vector.broadcast %broadcast_in_dim3A_88 : f32 to vector<1x128xf32>
      %swap3A_90 = arith.constant 0 : index
      %swap3A_91 = arith.constant 0 : index
      %swap3A_92 = vector.load %arg7[%swap3A_90, %swap3A_91] : memref<1x128xf32, #tpu.memory_space<vmem>>, vector<1x128xf32>
      tpu.vector_store %arg7[%swap3A_90, %swap3A_91], %broadcast_in_dim3A_89 {strides = array<i32>} : memref<1x128xf32, #tpu.memory_space<vmem>>, vector<1x128xf32>,
    } else {
    }
    %iota3A_68 = tpu.iota {dimensions = array<i32: 1>} : vector<1x128xi32>
    %get3A_69 = arith.constant 0 : index
    %get3A_70 = arith.constant 0 : index
    %get3A_71 = vector.load %arg7[%get3A_69, %get3A_70] : memref<1x128xf32, #tpu.memory_space<vmem>>, vector<1x128xf32>
    %eq3A_72 = arith.constant 0 : i32
    %eq3A_73 = vector.broadcast %eq3A_72 : i32 to vector<1x128xi32>
    %eq3A_74 = arith.cmpi eq, %iota3A_68, %eq3A_73 : vector<1x128xi32>
    %reduce_sum3A_75 = vector.shape_cast %convert_element_type3A_55 : vector<512x1xf32> to vector<1x512x1xf32>
    %reduce_sum3A_76 = arith.constant dense<0.000000e+00> : vector<1xf32>
    %reduce_sum3A_77 = vector.multi_reduction <add>, %reduce_sum3A_75, %reduce_sum3A_76 [1, 2] : vector<1x512x1xf32> to vector<1xf32>
    %reduce_sum3A_78 = vector.shape_cast %reduce_sum3A_77 : vector<1xf32> to vector<1x1x1xf32>
    %reduce_sum3A_79 = vector.extract %reduce_sum3A_78[0, 0, 0] : f32 from vector<1x1x1xf32>
    %jit3A_80 = arith.constant 0.000000e+00 : f32
    %broadcast_in_dim3A_81 = vector.broadcast %reduce_sum3A_79 : f32 to vector<1x128xf32>
    %broadcast_in_dim3A_82 = vector.broadcast %jit3A_80 : f32 to vector<1x128xf32>
    %select_n3A_83 = arith.select %eq3A_74, %broadcast_in_dim3A_81, %broadcast_in_dim3A_82 : vector<1x128xi1>, vector<1x128xf32>
    %add3A_84 = arith.addf %get3A_71, %select_n3A_83 : vector<1x128xf32>
    %swap3A_85 = arith.constant 0 : index
    %swap3A_86 = arith.constant 0 : index
    %swap3A_87 = vector.load %arg7[%swap3A_85, %swap3A_86] : memref<1x128xf32, #tpu.memory_space<vmem>>, vector<1x128xf32>
    tpu.vector_store %arg7[%swap3A_85, %swap3A_86], %add3A_84 {strides = array<i32>} : memref<1x128xf32, #tpu.memory_space<vmem>>, vector<1x128xf32>,
    return
  }
  func.func @transform_0(%arg0: i32) -> (i32, i32) {
    %c0_i32 = arith.constant 0 : i32
    %c0_i32_0 = arith.constant 0 : i32
    %c0_i32_1 = arith.constant 0 : i32
    return %c0_i32, %c0_i32_0 : i32, i32
  }
  func.func @transform_1(%arg0: i32) -> (i32, i32) {
    %c0_i32 = arith.constant 0 : i32
    %c0_i32_0 = arith.constant 0 : i32
    %c0_i32_1 = arith.constant 0 : i32
    return %c0_i32, %c0_i32_0 : i32, i32
  }
  func.func @transform_2(%arg0: i32) -> (i32, i32) {
    %c0_i32 = arith.constant 0 : i32
    %c0_i32_0 = arith.constant 0 : i32
    %c0_i32_1 = arith.constant 0 : i32
    return %c0_i32, %c0_i32_0 : i32, i32
  }
  func.func @transform_3(%arg0: i32) -> (i32, i32) {
    %c0_i32 = arith.constant 0 : i32
    %c0_i32_0 = arith.constant 0 : i32
    %c0_i32_1 = arith.constant 0 : i32
    return %c0_i32, %c0_i32_0 : i32, i32
  }
  func.func @transform_4(%arg0: i32) -> (i32, i32) {
    %c0_i32 = arith.constant 0 : i32
    %c0_i32_0 = arith.constant 0 : i32
    return %arg0, %c0_i32 : i32, i32
  }
  func.func @transform_5(%arg0: i32) -> (i32, i32) {
    %c0_i32 = arith.constant 0 : i32
    %c0_i32_0 = arith.constant 0 : i32
    return %arg0, %c0_i32 : i32, i32
  }
  func.func @transform_6(%arg0: i32) -> (i32, i32) {
    %c0_i32 = arith.constant 0 : i32
    %c0_i32_0 = arith.constant 0 : i32
    %c0_i32_1 = arith.constant 0 : i32
    return %c0_i32, %c0_i32_0 : i32, i32
  }
}

</mosaic_0001>

<sc_bundles>
// kernel: kernel.4.cloned.1.call-start
scs
__scs_entry_jumppad:
0x0: {  	(pc) =	sbr.rel $0x88, $3  }
0x1: {  	(tag) =	ssettag $0x0;
	lr =	simm.s32 $0x1  }
0x2: {  	[smem:$0x3F9E] =	sst lr;
	_ =	strace $0xD0000000  }
0x3: {  	_ = 	snop  }
0x4: {  	_ = 	snop  }
0x5: {  	_ = 	snop  }
0x6: {  	_ = 	snop  }
0x7: {  	_ = 	snop  }
__scs_overlays_trampoline_lowered:
0x8: {  	[smem:$0x3FAD] =	sst s0  }
0x9: {  	[smem:$0x3FAE] =	sst s1  }
0xa: {  	[smem:$0x3FAF] =	sst s2  }
0xb: {  	[smem:$0x3FB0] =	sst s3  }
0xc: {  	[smem:$0x3FB1] =	sst s4  }
0xd: {  	[smem:$0x3FB2] =	sst s5  }
0xe: {  	[smem:$0x3FB3] =	sst s6  }
0xf: {  	[smem:$0x3FB4] =	sst s7  }
0x10: {  	[smem:$0x3FB5] =	sst s8  }
0x11: {  	[smem:$0x3FB6] =	sst s9;
	s0 =	simm.s32 @!p0 $0x0  }
0x12: {  	s1 =	sld [smem:$0x3F9C];
	s0 =	simm.s32 @p0 $0x1  }
0x13: {  	[smem:$0x3FB7] =	sst s0;
	s0 =	simm.s32 @!p1 $0x0  }
0x14: {  	s2 =	sld [smem:$0x3F9B];
	s0 =	simm.s32 @p1 $0x1  }
0x15: {  	[smem:$0x3FB8] =	sst s0;
	s0 =	simm.s32 @!p2 $0x0  }
0x16: {  	s3 =	sld [smem:$0x3FDB];
	s0 =	simm.s32 @p2 $0x1  }
0x17: {  	s4 =	simm.s32 $0x1BF5;
	[smem:$0x3FBA] =	sst s0  }
0x18: {  	s0 =	sld [smem:$0x3F9D];
	_ =	swait.ge [sflag:s4], $0x0  }
0x19: {  	s7 =	sld [smem:$0x3F9E]  }
0x1a: {  	s8 =	sadd.s32 $0xFFFFE003, lr  }
0x1b: {  	s9 =	sadd.s32 $0xFFFFFEF7, lr;
	s5 =	simm.s32 $0xFFFFFFFF;
	p2 =	slt.u32 s8, $0xFFFFF086  }
0x1c: {  	p1 =	slt.u32 s9, $0xF7A;
	s5 =	simm.s32 @!p2 $0x0  }
0x1d: {  	s5 =	simm.s32 @p1 $0x1;
	p0 =	seq.s32 s7, s2  }
0x1e: {  	s7 =	smul.u32 @!p0 $0xF7A, s2;
	p2 =	seq.s32 @!p0 s5, $0x0  }
0x1f: {  	s9 =	smul.u32 $0xF7A, s1;
	s8 =	simm.s32 @!p0 $0x1BF5;
	p2 =	por !p2, p0  }
0x20: {  	[sflag:s8] =	ssyncset.s32 @!p0 $0xFFFFF086;
	s6 =	sadd.s32 @!p0 s3, s7;
	s7 =	simm.s32 @!p0 $0x108  }
0x21: {  	s3 =	sadd.s32 s3, s9;
	s6 =	sadd.s32 @!p0 $0x88, s6;
	s7 =	simm.s32 @p2 $0x1082  }
0x22: {  	[simem:s7], [sflag:s8] =	dma.local @!p0 [hbm:s6], $0xF7A  }
0x23: {  	s9 =	sor.u32 $0xD0000000, s2;
	s6 =	simm.s32 $0x108;
	_ =	swait.ge @!p0 [sflag:s8], $0x0  }
0x24: {  	s3 =	sadd.s32 $0x88, s3;
	s6 =	simm.s32 @!p1 $0x1082;
	[sflag:s4] =	ssyncset.s32 $0xFFFFF086  }
0x25: {  	[simem:s6], [sflag:s4] =	dma.local [hbm:s3], $0xF7A  }
0x26: {  	[smem:$0x3F9E] =	sst s1;
	(tag) =	ssettag s2;
	_ =	strace s9  }
0x27: {  	s1 =	sld [smem:$0x3FAE]  }
0x28: {  	s2 =	sld [smem:$0x3FAF]  }
0x29: {  	s4 =	sld [smem:$0x3FB1]  }
0x2a: {  	p0 =	seq.s32 s5, $0x0;
	s5 =	sld [smem:$0x3FB2]  }
0x2b: {  	s6 =	sld [smem:$0x3FB3]  }
0x2c: {  	s7 =	sld [smem:$0x3FB4]  }
0x2d: {  	s3 =	simm.s32 $0x108;
	s8 =	sld [smem:$0x3FB5]  }
0x2e: {  	s3 =	simm.s32 @!p0 $0x1082;
	s9 =	sld [smem:$0x3FB6]  }
0x2f: {  	lr =	sadd.s32 s0, s3;
	s0 =	sld [smem:$0x3FAD]  }
0x30: {  	s3 =	sld [smem:$0x3FB0]  }
0x31: {  	[smem:$0x3FB9] =	sst s10  }
0x32: {  	s10 =	sld [smem:$0x3FB7];
	_ =	sdelay $0x3  }
0x33: {  	p0 =	seq.s32 s10, $0x1;
	s10 =	sld [smem:$0x3FB9];
	_ =	sdelay $0x3  }
0x34: {  	[smem:$0x3FB9] =	sst s10  }
0x35: {  	s10 =	sld [smem:$0x3FB8];
	_ =	sdelay $0x3  }
0x36: {  	p1 =	seq.s32 s10, $0x1;
	s10 =	sld [smem:$0x3FB9];
	_ =	sdelay $0x3  }
0x37: {  	[smem:$0x3FB9] =	sst s10  }
0x38: {  	s10 =	sld [smem:$0x3FBA]  }
0x39: {  	_ = 	snop;
	(pc) =	sbr.ind lr, $3  }
0x3a: {  	_ = 	snop  }
0x3b: {  	_ = 	snop  }
0x3c: {  	p2 =	seq.s32 s10, $0x1;
	s10 =	sld [smem:$0x3FB9]  }
0x3d: {  	_ =	shalt  }
0x3e: {  	_ =	shalt  }
0x3f: {  	_ =	shalt  }
0x40: {  	_ =	shalt  }
0x41: {  	_ =	shalt  }
0x42: {  	_ =	shalt  }
0x43: {  	_ =	shalt  }
0x44: {  	_ =	shalt  }
0x45: {  	_ =	shalt  }
0x46: {  	_ =	shalt  }
0x47: {  	_ =	shalt  }
0x48: {  	_ =	shalt  }
0x49: {  	_ =	shalt  }
0x4a: {  	_ =	shalt  }
0x4b: {  	_ =	shalt  }
0x4c: {  	_ =	shalt  }
0x4d: {  	_ =	shalt  }
0x4e: {  	_ =	shalt  }
0x4f: {  	_ =	shalt  }
0x50: {  	_ =	shalt  }
0x51: {  	_ =	shalt  }
0x52: {  	_ =	shalt  }
0x53: {  	_ =	shalt  }
0x54: {  	_ =	shalt  }
0x55: {  	_ =	shalt  }
0x56: {  	_ =	shalt  }
0x57: {  	_ =	shalt  }
0x58: {  	_ =	shalt  }
0x59: {  	_ =	shalt  }
0x5a: {  	_ =	shalt  }
0x5b: {  	_ =	shalt  }
0x5c: {  	_ =	shalt  }
0x5d: {  	_ =	shalt  }
0x5e: {  	_ =	shalt  }
0x5f: {  	_ =	shalt  }
0x60: {  	_ =	shalt  }
0x61: {  	_ =	shalt  }
0x62: {  	_ =	shalt  }
0x63: {  	_ =	shalt  }
0x64: {  	_ =	shalt  }
0x65: {  	_ =	shalt  }
0x66: {  	_ =	shalt  }
0x67: {  	_ =	shalt  }
0x68: {  	_ =	shalt  }
0x69: {  	_ =	shalt  }
0x6a: {  	_ =	shalt  }
0x6b: {  	_ =	shalt  }
0x6c: {  	_ =	shalt  }
0x6d: {  	_ =	shalt  }
0x6e: {  	_ =	shalt  }
0x6f: {  	_ =	shalt  }
0x70: {  	_ =	shalt  }
0x71: {  	_ =	shalt  }
0x72: {  	_ =	shalt  }
0x73: {  	_ =	shalt  }
0x74: {  	_ =	shalt  }
0x75: {  	_ =	shalt  }
0x76: {  	_ =	shalt  }
0x77: {  	_ =	shalt  }
0x78: {  	_ =	shalt  }
0x79: {  	_ =	shalt  }
0x7a: {  	_ =	shalt  }
0x7b: {  	_ =	shalt  }
0x7c: {  	_ =	shalt  }
0x7d: {  	_ =	shalt  }
0x7e: {  	_ =	shalt  }
0x7f: {  	_ =	shalt  }
0x80: {  	_ =	shalt  }
0x81: {  	_ =	shalt  }
0x82: {  	_ =	shalt  }
0x83: {  	_ =	shalt  }
0x84: {  	_ =	shalt  }
0x85: {  	_ =	shalt  }
0x86: {  	_ =	shalt  }
0x87: {  	_ =	shalt  }
.Lfunc_end0:
.L_simem_size_0:
called_computation_lowered:
.L_overlay_start_0:
0x88: {  	s2 =	sld [smem:$0x3FD9]  }
0x89: {  	s3 =	sld [smem:$0x3FFE];
	_ =	sdelay $0x1  }
0x8a: {  	s1 =	srdreg.scid  }
0x8b: {  	s0 =	sand.u32 $0x1, s1  }
0x8c: {  	s16 =	sshll.u32 s0, $0xA;
	s2 =	sadd.s32 s3, s2  }
0x8d: {  	s2 =	sadd.s32 s2, s16  }
0x8e: {  	[smem:$0x3FC5] =	sst s2  }
0x8f: {  	_ = 	snop  }
0x90: {  	(tm) =	ssettm $0x1  }
0x91: {  	s17 =	sld [smem:$0x3FFB];
	_ =	sdelay $0x3  }
0x92: {  	_ =	strace s17  }
0x93: {  	s2 =	sld [smem:$0x3FFC];
	_ =	sdelay $0x3  }
0x94: {  	_ =	strace s2  }
0x95: {  	s2 =	sld [smem:$0x3FFD];
	_ =	sdelay $0x3  }
0x96: {  	_ =	strace s2  }
0x97: {  	_ =	strace $0x8FFFFFFF  }
0x98: {  	s18 =	sld [smem:$0x3FDB];
	_ =	sdelay $0x1  }
0x99: {  	s19 =	simm.s32 $_scs_section_size  }
0x9a: {  	s4 =	simm.s32 $_size__tile_overlayer_lowered;
	s5 =	simm.s32 $_tile_overlayer_lowered  }
0x9b: {  	s22 =	simm.s32 $0x1BFF;
	s21 =	sshll.u32 s5, $0x1;
	s2 =	sadd.s32 s19, s18  }
0x9c: {  	s6 =	simm.s32 $0x0;
	s20 =	sshll.u32 s4, $0x1;
	s4 =	sadd.s32 s21, s2  }
0x9d: {  	[timem:s6], [sflag:s22] =	dma.local [hbm:s4], s20  }
0x9e: {  	_ =	swait.ge [sflag:s22], s20  }
0x9f: {  	s3 =	ssub.s32 $0x0, s20;
	[sflag:s22] =	ssyncset.done $0x0  }
0xa0: {  	[sflag:s22] =	ssyncadd.s32 s3;
	_ =	sdelay $0x1  }
0xa1: {  	s23 =	simm.s32 $0x1B8B  }
0xa2: {  	_ =	swait.ge [sflag:s23], $0x1  }
0xa3: {  	[sflag:s23] =	ssyncset.done $0x0  }
0xa4: {  	s25 =	simm.s32 $0x1B8E;
	s24 =	sld [smem:$0x3FFE];
	[sflag:s23] =	ssyncadd.s32 $0xFFFFFFFF  }
0xa5: {  	s26 =	simm.s32 $execute0_lowered;
	[smem:$0x3FD2] =	sst s25  }
0xa6: {  	s4 =	sshll.u32 s26, $0x1;
	_ =	strace $0x80000046;
	[dreg:$0x1] =	wrdreg $0xFFFFFFFF  }
0xa7: {  	s28 =	simm.s32 $_size_execute0_lowered;
	s2 =	sadd.s32 s2, s4;
	[dreg:$0x0] =	wrdreg $0x0  }
0xa8: {  	s4 =	sshll.u32 s28, $0x1;
	[dreg:$0x2] =	wrdreg s2  }
0xa9: {  	[dreg:$0x3] =	wrdreg s4  }
0xaa: {  	[dreg:$0x4] =	wrdreg $0xC0  }
0xab: {  	_ =	task [dreg:s6], $0x5FFFF  }
0xac: {  	[dreg:$0x1] =	wrdreg $0xFFFFFFFF  }
0xad: {  	[dreg:$0x0] =	wrdreg $0x60  }
0xae: {  	[dreg:$0x2] =	wrdreg s24  }
0xaf: {  	[dreg:$0x3] =	wrdreg $0x9  }
0xb0: {  	_ =	task.clear_ibuf [dreg:s6], $0x4FFFF;
	_ =	strace $0x90000046  }
0xb1: {  	s29 =	simm.s32 $0x9;
	_ =	strace $0x80000048  }
0xb2: {  	_ =	swait.ge [sflag:s29], $0x1  }
0xb3: {  	[sflag:s29] =	ssyncadd.s32 $0xFFFFFFFF  }
0xb4: {  	_ =	strace $0x90000048  }
0xb5: {  	_ =	sfence  }
0xb6: {  	s30 =	sld [smem:$0x0];
	_ =	sdelay $0x2  }
0xb7: {  	s31 =	sshll.u32 s1, $0xD;
	s1 =	sshrl.u32 s1, $0x2  }
0xb8: {  	s3 =	sand.u32 $0x4000, s31;
	s1 =	sadd.s32 s1, s30  }
0xb9: {  	s0 =	sor.u32 s3, s0;
	s1 =	sshll.u32 s1, $0x11  }
0xba: {  	s0 =	sor.u32 s1, s0  }
0xbb: {  	s0 =	sadd.s32 $0x8F2B, s0  }
0xbc: {  	[sflag:s0] =	ssyncadd.remote.s32 $0x1  }
0xbd: {  	_ =	sfence.sel $0xFFFF  }
0xbe: {  	[dreg:$0x0] =	wrdreg $0xFFFFFFFF;
	(pc) =	sbr.abs _section_cstart, $3  }
0xbf: {  	[dreg:$0x1] =	wrdreg $0xFFFFFFFF  }
0xc0: {  	_ =	task.clear_ibuf [dreg:s6], $0x2FFFF;
	_ =	strace $0x9FFFFFFF  }
0xc1: {  	(tm) =	ssettm $0x7FFFFFFF  }
tec
execute0_lowered:
.L_overlay_start_1:
0x0: {  	(tag) =	ssettag $0x1  }
0x1: {  	s4 =	rddreg [dreg:$0x0]  }
0x2: {  	s0 =	rddreg [dreg:$0x1]  }
0x3: {  	s3 =	srdreg.scid;
	s1 =	stileid.u32;
	s2 =	simm.s32 $0x0  }
0x4: {  	s11 =	simm.s32 $0x5000;
	s12 =	simm.s32 $0x80;
	s13 =	simm.s32 $0x5100  }
0x5: {  	s14 =	simm.s32 $0x7100;
	s15 =	simm.s32 $0x1;
	s16 =	simm.s32 $0x9100  }
0x6: {  	s5 =	sand.u32 $0x1, s3;
	s30 =	sshll.u32 s1, $0x1;
	[smem:$0x7FF] =	sst s2  }
0x7: {  	s17 =	simm.s32 $0x0;
	s6 =	sor.u32 s5, s30;
	_ =	strace $0x80000047  }
0x8: {  	s5 =	ssub.s32 $0x2, s5;
	s3 =	sshll.u32 s6, $0x9;
	s8 =	sshll.u32 s6, $0x5  }
0x9: {  	s9 =	sshll.u32 s6, $0x1;
	s31 =	sshrl.u32 s5, $0x1;
	s6 =	sshll.u32 s6, $0xB  }
0xa: {  	s7 =	sadd.s32 s3, s4;
	s3 =	sadd.s32 $0x4200, s4;
	s8 =	sadd.s32 s8, s4  }
0xb: {  	s9 =	sadd.s32 s9, s4;
	s10 =	ssub.s32 s5, s31;
	s4 =	sadd.s32 $0x200, s7  }
0xc: {  	s5 =	sadd.s32 s3, s6;
	s6 =	sadd.s32 $0x14200, s8;
	s7 =	sadd.s32 $0x14600, s9  }
0xd: {  	s8 =	smax.u32 s10, $0x1;
	s9 =	simm.s32 $0x2;
	s10 =	simm.s32 $0x1000  }
.LBB2_1:
0xe: {  	[tilespmem:s2], [sflag:$0x2] =	stream.linear.gather [hbm4b:s4+s2], $0x1000, $0x38;
	[tilespmem:$0x9110] =	vst v63  }
0xf: {  	_ =	swait.ge [sflag:s9], $0x1000  }
0x10: {  	[sflag:s9] =	ssyncset.done $0x0  }
0x11: {  	[sflag:s9] =	ssyncadd.s32 $0xFFFFF000  }
0x12: {  	[tilespmem:s10], [sflag:$0x2] =	stream.linear.gather [hbm4b:s5+s2], $0x4000, $0x38;
	[tilespmem:$0x9110] =	vst v63  }
0x13: {  	_ =	swait.ge [sflag:s9], $0x4000  }
0x14: {  	[sflag:s9] =	ssyncset.done $0x0  }
0x15: {  	[sflag:s9] =	ssyncadd.s32 $0xFFFFC000  }
0x16: {  	[tilespmem:s11], [sflag:$0x2] =	stream.linear.gather [hbm4b:s6+s2], $0x100, $0x38;
	[tilespmem:$0x9110] =	vst v63  }
0x17: {  	_ =	swait.ge [sflag:s9], $0x100  }
0x18: {  	[sflag:s9] =	ssyncset.done $0x0  }
0x19: {  	v0 =	vimm.f32 $0.0e+00;
	s18 =	simm.s32 $0x0;
	[sflag:s9] =	ssyncadd.s32 $0xFFFFFF00  }
.LBB2_2:
0x1a: {  	s19 =	sshll.u32 s18, $0x8  }
0x1b: {  	s19 =	sand.u32 $0x3FFFFF00, s19  }
0x1c: {  	[tilespmem:s13], [sflag:$0x1] =	stream.indirect.gather [hbm4b:s3+s12], $0x40, s19, s12, $0xb8;
	[tilespmem:$0x9110] =	vst v63  }
0x1d: {  	s19 =	sor.u32 $0x80, s19  }
0x1e: {  	[tilespmem:s14], [sflag:$0x1] =	stream.indirect.gather [hbm4b:s3+s12], $0x40, s19, s12, $0xb8;
	[tilespmem:$0x9110] =	vst v63  }
0x1f: {  	_ =	swait.ge [sflag:s15], $0x2000  }
0x20: {  	[sflag:s15] =	ssyncset.done $0x0  }
0x21: {  	[sflag:s15] =	ssyncadd.s32 $0xFFFFE000  }
0x22: {  	_ =	swait.ge [sflag:s15], $0x2000  }
0x23: {  	s20 =	simm.s32 $0x0;
	[sflag:s15] =	ssyncset.done $0x0  }
0x24: {  	s21 =	simm.s32 $0x5120;
	s19 =	sshll.u32 s18, $0x4;
	[sflag:s15] =	ssyncadd.s32 $0xFFFFE000  }
.LBB2_3:
0x25: {  	v1 =	vmov s21  }
0x26: {  	s22 =	sadd.s32 s19, s20  }
0x27: {  	s23 =	sshll.u32 s22, $0x6  }
0x28: {  	s23 =	sand.u32 $0x3FFFFFC0, s23  }
0x29: {  	s24 =	simm.s32 $0x0;
	v5 =	vld [tilespmem:s23+$0x1000]  }
0x2a: {  	v6 =	vld.idx.msk [tilespmem:v1+s24+$0xFFFFFFE0 ss:$0x1], $0xffff  }
0x2b: {  	v4 =	vld [tilespmem:s23+$0x1010]  }
0x2c: {  	v7 =	vld.idx.msk [tilespmem:v1+s24+$0xFFFFFFF0 ss:$0x1], $0xffff  }
0x2d: {  	v3 =	vld [tilespmem:s23+$0x1020]  }
0x2e: {  	v8 =	vld.idx.msk [tilespmem:v1+s24+$0x0 ss:$0x1], $0xffff  }
0x2f: {  	v2 =	vld [tilespmem:s23+$0x1030];
	v6 =	vsub.f32 v6, v5  }
0x30: {  	v9 =	vld.idx.msk [tilespmem:v1+s24+$0x10 ss:$0x1], $0xffff  }
0x31: {  	s31 =	simm.s32 $0x40;
	v7 =	vsub.f32 v7, v4;
	v6 =	vmul.f32 v6, v6  }
0x32: {  	v10 =	vimm.f32 $0.0e+00;
	v11 =	vld.idx.msk [tilespmem:v1+s31+$0xFFFFFFE0 ss:$0x1], $0xffff  }
0x33: {  	v7 =	vmul.f32 v7, v7;
	v6 =	vadd.f32 v6, v10;
	v10 =	vsub.f32 v8, v3  }
0x34: {  	v8 =	vld.idx.msk [tilespmem:v1+s31+$0xFFFFFFF0 ss:$0x1], $0xffff  }
0x35: {  	v13 =	vsub.f32 v9, v2;
	v12 =	vadd.f32 v7, v6;
	v10 =	vmul.f32 v10, v10  }
0x36: {  	v7 =	vld.idx.msk [tilespmem:v1+s31+$0x0 ss:$0x1], $0xffff  }
0x37: {  	v9 =	vsub.f32 v11, v5;
	v11 =	vmul.f32 v13, v13;
	v10 =	vadd.f32 v10, v12  }
0x38: {  	s23 =	simm.s32 $0x80;
	s24 =	simm.s32 $0x300;
	v6 =	vld.idx.msk [tilespmem:v1+s31+$0x10 ss:$0x1], $0xffff  }
.LBB2_4:
0x39: {  	p0 =	sne.s32 s24, $0xF00;
	v12 =	vld.idx.msk [tilespmem:v1+s23+$0xFFFFFFE0 ss:$0x1], $0xffff;
	v9 =	vmul.f32 v9, v9;
	v13 =	vsub.f32 v8, v4;
	v10 =	vadd.f32 v11, v10;
	_ =	sdelay $0x1  }
0x3a: {  	v11 =	vsub.f32 v7, v3;
	v8 =	vld.idx.msk [tilespmem:v1+s23+$0xFFFFFFF0 ss:$0x1], $0xffff;
	v9 =	vadd.f32 v9, v10;
	v10 =	vmul.f32 v13, v13  }
.Ltmp0:
0x3b: {  	(pc) =	sbr.rel @p0 .LBB2_4-.Ltmp0, $3  }
0x3c: {  	v11 =	vmul.f32 v11, v11;
	v13 =	vsub.f32 v6, v2;
	v7 =	vld.idx.msk [tilespmem:v1+s23+$0x0 ss:$0x1], $0xffff;
	v10 =	vadd.f32 v10, v9;
	_ =	sdelay $0x1  }
0x3d: {  	v9 =	vsub.f32 v12, v5;
	v6 =	vld.idx.msk [tilespmem:v1+s23+$0x10 ss:$0x1], $0xffff;
	v10 =	vadd.f32 v11, v10;
	v11 =	vmul.f32 v13, v13  }
0x3e: {  	s23 =	sshra.s32 s24, $0x2;
	s24 =	sadd.s32 $0x100, s24  }
0x3f: {  	_ =	sdelay $0x2  }
0x40: {  	v9 =	vmul.f32 v9, v9;
	v8 =	vsub.f32 v8, v4;
	v10 =	vadd.f32 v11, v10  }
0x41: {  	v12 =	vld.idx.msk [tilespmem:v1+s23+$0xFFFFFFE0 ss:$0x1], $0xffff  }
0x42: {  	v7 =	vsub.f32 v7, v3;
	v9 =	vadd.f32 v9, v10;
	v8 =	vmul.f32 v8, v8  }
0x43: {  	v60 =	vld.idx.msk [tilespmem:v1+s23+$0xFFFFFFF0 ss:$0x1], $0xffff  }
0x44: {  	v7 =	vmul.f32 v7, v7;
	v6 =	vsub.f32 v6, v2;
	v8 =	vadd.f32 v8, v9  }
0x45: {  	v61 =	vld.idx.msk [tilespmem:v1+s23+$0x0 ss:$0x1], $0xffff  }
0x46: {  	v5 =	vsub.f32 v12, v5;
	v6 =	vmul.f32 v6, v6;
	v7 =	vadd.f32 v7, v8  }
0x47: {  	v1 =	vld.idx.msk [tilespmem:v1+s23+$0x10 ss:$0x1], $0xffff;
	v63 =	vmov s22  }
0x48: {  	v62 =	vsub.f32 v60, v4;
	v5 =	vmul.f32 v5, v5;
	v6 =	vadd.f32 v6, v7;
	_ =	sdelay $0x1  }
0x49: {  	v3 =	vsub.f32 v61, v3;
	v4 =	vmul.f32 v62, v62;
	v5 =	vadd.f32 v5, v6;
	_ =	sdelay $0x1  }
0x4a: {  	v1 =	vsub.f32 v1, v2;
	v3 =	vmul.f32 v3, v3;
	v4 =	vadd.f32 v4, v5  }
0x4b: {  	v2 =	vld.idx.msk [tilespmem:v63+s11+$0x0], $0xffff  }
0x4c: {  	s20 =	sadd.s32 $0x1, s20;
	v1 =	vmul.f32 v1, v1;
	v3 =	vadd.f32 v3, v4  }
0x4d: {  	p0 =	sne.s32 s20, $0x10  }
.Ltmp1:
0x4e: {  	v1 =	vadd.f32 v1, v3;
	(pc) =	sbr.rel @p0 .LBB2_3-.Ltmp1, $3  }
0x4f: {  	_ = 	snop  }
0x50: {  	v1 =	vmul.f32 v2, v1;
	_ =	sdelay $0x1  }
0x51: {  	s21 =	sadd.s32 $0x400, s21;
	v0 =	vadd.f32 v1, v0  }
0x52: {  	s18 =	sadd.s32 $0x1, s18  }
0x53: {  	p0 =	sne.s32 s18, $0x10  }
.Ltmp2:
0x54: {  	_ = 	snop;
	(pc) =	sbr.rel @p0 .LBB2_2-.Ltmp2, $1  }
0x55: {  	_ =	sdelay $0x3  }
0x56: {  	s17 =	sadd.s32 $0x1, s17  }
0x57: {  	p0 =	sne.s32 s17, s8  }
.Ltmp3:
0x58: {  	[tilespmem:$0x9100] =	vst v0;
	(pc) =	sbr.rel @p0 .LBB2_1-.Ltmp3, $4  }
0x59: {  	[hbm4b:s7+s2] =	stream.linear.scatter [tilespmem:s16], [sflag:$0x2], $0x10, $0x38;
	[tilespmem:$0x9110] =	vst v63  }
0x5a: {  	_ =	swait.ge [sflag:s9], $0x10  }
0x5b: {  	[sflag:s9] =	ssyncset.done $0x0  }
0x5c: {  	[sflag:s9] =	ssyncadd.s32 $0xFFFFFFF0  }
0x5d: {  	_ =	sfence.sel $0x180000  }
0x5e: {  	[bflag:$0x0] =	sbarrier.arrive $0xFFFF  }
0x5f: {  	p0 =	sne.s32 s1, $0x0;
	_ =	strace $0x90000047  }
0x60: {  	s0 =	sadd.s32 @!p0 $0x100000, s0;
	[bflag:$0x2] =	sbarrier.arrive $0xFFFF  }
0x61: {  	[sflag:s0] =	ssyncadd.tile.s32 @!p0 $0x1;
	_ =	shalt  }
.Lfunc_end2:
_tile_overlayer_lowered:
.L_overlay_start_2:
0x62: {  	(tag) =	ssettag $0x2  }
0x63: {  	s0 =	rddreg [dreg:$0x0];
	s2 =	stileid.u32  }
0x64: {  	s1 =	rddreg [dreg:$0x1];
	p0 =	sne.s32 s2, $0x0  }
0x65: {  	s3 =	rddreg [dreg:$0x2];
	[bflag:$0x3] =	sbarrier.arrive $0xFFFF;
	s2 =	simm.s32 @!p0 $0x1C02  }
0x66: {  	[timem:s3], [sflag:s2] =	dma.local @!p0 [hbm:s0], s1  }
0x67: {  	s0 =	simm.s32 @!p0 $0x2  }
0x68: {  	_ =	swait.ge @!p0 [sflag:s0], s1  }
0x69: {  	s1 =	ssub.s32 @!p0 $0x0, s1;
	[sflag:s0] =	ssyncset.done @!p0 $0x0  }
0x6a: {  	[sflag:s0] =	ssyncadd.s32 @!p0 s1  }
0x6b: {  	[bflag:$0x3] =	sbarrier.arrive $0xFFFF  }
0x6c: {  	_ =	shalt  }

</sc_bundles>
